<compile_context>
chip_gen: v7x
topology: tpu7x:2x2x1
jax: 0.10.2.dev20260603
libtpu: 0.0.44.dev20260713+nightly
codegen_flags: <defaults>
</compile_context>

<pallas_src>
import functools

import jax
import jax.numpy as jnp
from jax import lax
from jax.experimental import pallas as pl
from jax.experimental.pallas import tpu as pltpu
from jax.experimental.pallas import tpu_sc as plsc

NUM_EMB = 1000000
DIM = 64
SEQ = 16384
POS = 50
NW = 32
BLK = 256
IC = SEQ // BLK
N_BLOCKS = POS * IC
BPW = N_BLOCKS // NW


def _body(ids_hbm, table_hbm, out_hbm, idx0, idx1, rows0, rows1,
          gsem0, gsem1, wsem0, wsem1):
    nc = 2
    wid = lax.axis_index("s") * nc + lax.axis_index("c")

    def fire(b, idx_v, rows_v, gsem):
        k = b // IC
        ic = b % IC
        pltpu.sync_copy(ids_hbm.at[k, pl.ds(ic * BLK, BLK)], idx_v)
        pltpu.async_copy(table_hbm.at[idx_v], rows_v, gsem)

    def drain_gather(rows_v, gsem):
        pltpu.make_async_copy(table_hbm.at[idx0], rows_v, gsem).wait()

    def write(b, rows_v, wsem):
        k = b // IC
        ic = b % IC
        pltpu.async_copy(rows_v, out_hbm.at[k, pl.ds(ic * BLK, BLK), :], wsem)

    def drain_write(rows_v, wsem):
        pltpu.make_async_copy(rows_v, out_hbm.at[0, pl.ds(0, BLK), :],
                              wsem).wait()

    base = wid * BPW
    fire(base, idx0, rows0, gsem0)

    def step(s, carry):
        b0 = base + 2 * s

        fire(b0 + 1, idx1, rows1, gsem1)
        drain_gather(rows0, gsem0)
        write(b0, rows0, wsem0)
        drain_write(rows0, wsem0)

        @pl.when(s < BPW // 2 - 1)
        def _():
            fire(b0 + 2, idx0, rows0, gsem0)
        drain_gather(rows1, gsem1)
        write(b0 + 1, rows1, wsem1)
        drain_write(rows1, wsem1)
        return carry

    lax.fori_loop(0, BPW // 2, step, 0)


def kernel(token_ids, embedding_weights):
    ids_t = token_ids.T.astype(jnp.int32)
    mesh = plsc.VectorSubcoreMesh(core_axis_name="c", subcore_axis_name="s")
    k = functools.partial(
        pl.kernel,
        mesh=mesh,
        out_type=jax.ShapeDtypeStruct((POS, SEQ, DIM), jnp.float32),
        scratch_types=[
            pltpu.VMEM((BLK,), jnp.int32),
            pltpu.VMEM((BLK,), jnp.int32),
            pltpu.VMEM((BLK, DIM), jnp.float32),
            pltpu.VMEM((BLK, DIM), jnp.float32),
            pltpu.SemaphoreType.DMA,
            pltpu.SemaphoreType.DMA,
            pltpu.SemaphoreType.DMA,
            pltpu.SemaphoreType.DMA,
        ],
        compiler_params=pltpu.CompilerParams(use_tc_tiling_on_sc=False,
                                             needs_layout_passes=False),
    )(_body)
    out_km = k(ids_t, embedding_weights)
    return out_km.transpose(1, 0, 2)

# --- scband reference (transcript-rebuilt; emitter-appended) ---
"""Pipeline reference for scband-embedding-39135742001208 (READ-ONLY COPY).

The authoritative reference and input builder live on the scoring server;
editing this copy changes nothing except your own understanding.
"""

import jax, jax.numpy as jnp
import numpy as np

NUM_EMBEDDINGS = 1000000
EMBEDDING_DIM = 64

def setup_inputs(seed: int = 0) -> dict:
    key = jax.random.key(seed)
    k1, k2 = jax.random.split(key)
    token_ids = jax.random.randint(k1, (16384, 50), 0, NUM_EMBEDDINGS, dtype=jnp.int64 if jax.config.jax_enable_x64 else jnp.int32)
    # trunc_normal_(mean=0, std=1, a=-3, b=-3) approximated with truncated normal
    embedding_weights = jax.random.truncated_normal(k2, -3.0, 3.0, (NUM_EMBEDDINGS, EMBEDDING_DIM), dtype=jnp.float32)
    return {"token_ids": token_ids, "embedding_weights": embedding_weights}

def reference(token_ids, embedding_weights):
    # result = self.embedding_weights[token_ids]
    result = jnp.take(embedding_weights, token_ids, axis=0)
    return result

if __name__ == "__main__":
    import jax
    _d = setup_inputs()
    print(jax.jit(kernel)(*tuple(_d.values())))

</pallas_src>

<mosaic_0001>
#map = affine_map<(d0, d1) -> (0, 0)>
#map1 = affine_map<(d0, d1) -> (0, 0, 0)>
module attributes {stable_mosaic.version = 14 : i64} {
  func.func @_body(%arg0: i32, %arg1: i32, %arg2: memref<50x16384xi32, #tpu.memory_space<hbm>>, %arg3: memref<1000000x64xf32, #tpu.memory_space<hbm>>, %arg4: memref<50x16384x64xf32, #tpu.memory_space<hbm>>, %arg5: memref<256xi32, #tpu.memory_space<vmem>>, %arg6: memref<256xi32, #tpu.memory_space<vmem>>, %arg7: memref<256x64xf32, #tpu.memory_space<vmem>>, %arg8: memref<256x64xf32, #tpu.memory_space<vmem>>, %arg9: memref<!tpu.dma_semaphore, #tpu.memory_space<semaphore_mem>>, %arg10: memref<!tpu.dma_semaphore, #tpu.memory_space<semaphore_mem>>, %arg11: memref<!tpu.dma_semaphore, #tpu.memory_space<semaphore_mem>>, %arg12: memref<!tpu.dma_semaphore, #tpu.memory_space<semaphore_mem>>) attributes {dimension_semantics = [#tpu.dimension_semantics<core_parallel>, #tpu.dimension_semantics<subcore_parallel>], iteration_bounds = array<i64: 2, 16>, scalar_prefetch = 0 : i64, scratch_operands = 8 : i64, tpu.core_type = #tpu.core_type<sc_vector_subcore>, window_params = [{transform_indices = #map}, {transform_indices = #map}, {transform_indices = #map1}]} {
    %mul3A = arith.constant 2 : i32
    %mul3A_0 = arith.muli %arg1, %mul3A : i32
    %add3A = arith.addi %mul3A_0, %arg0 : i32
    %mul3A_1 = arith.constant 100 : i32
    %mul3A_2 = arith.muli %add3A, %mul3A_1 : i32
    %jit3A = arith.constant 64 : i32
    %div3A = arith.divsi %mul3A_2, %jit3A : i32
    %sign3A = arith.constant 0 : i32
    %sign3A_3 = arith.cmpi sgt, %mul3A_2, %sign3A : i32
    %sign3A_4 = arith.extui %sign3A_3 : i1 to i32
    %sign3A_5 = arith.constant 0 : i32
    %sign3A_6 = arith.cmpi slt, %mul3A_2, %sign3A_5 : i32
    %sign3A_7 = arith.extui %sign3A_6 : i1 to i32
    %sign3A_8 = arith.subi %sign3A_4, %sign3A_7 : i32
    %sign3A_9 = arith.constant 0 : i32
    %sign3A_10 = arith.cmpi sgt, %jit3A, %sign3A_9 : i32
    %sign3A_11 = arith.extui %sign3A_10 : i1 to i32
    %sign3A_12 = arith.constant 0 : i32
    %sign3A_13 = arith.cmpi slt, %jit3A, %sign3A_12 : i32
    %sign3A_14 = arith.extui %sign3A_13 : i1 to i32
    %sign3A_15 = arith.subi %sign3A_11, %sign3A_14 : i32
    %ne3A = arith.cmpi ne, %sign3A_8, %sign3A_15 : i32
    %rem3A = arith.remsi %mul3A_2, %jit3A : i32
    %ne3A_16 = arith.constant 0 : i32
    %ne3A_17 = arith.cmpi ne, %rem3A, %ne3A_16 : i32
    %and3A = arith.andi %ne3A, %ne3A_17 : i1
    %sub3A = arith.constant 1 : i32
    %sub3A_18 = arith.subi %div3A, %sub3A : i32
    %select_n3A = arith.select %and3A, %sub3A_18, %div3A : i32
    %jit3A_19 = arith.constant 64 : i32
    %eq3A = arith.constant 0 : i32
    %eq3A_20 = arith.cmpi eq, %jit3A_19, %eq3A : i32
    %jit3A_21 = arith.constant 1 : i32
    %select_n3A_22 = arith.select %eq3A_20, %jit3A_21, %jit3A_19 : i32
    %rem3A_23 = arith.remsi %mul3A_2, %select_n3A_22 : i32
    %ne3A_24 = arith.constant 0 : i32
    %ne3A_25 = arith.cmpi ne, %rem3A_23, %ne3A_24 : i32
    %lt3A = arith.constant 0 : i32
    %lt3A_26 = arith.cmpi slt, %rem3A_23, %lt3A : i32
    %lt3A_27 = arith.constant 0 : i32
    %lt3A_28 = arith.cmpi slt, %select_n3A_22, %lt3A_27 : i32
    %ne3A_29 = arith.xori %lt3A_26, %lt3A_28 : i1
    %and3A_30 = arith.andi %ne3A_29, %ne3A_25 : i1
    %add3A_31 = arith.addi %rem3A_23, %select_n3A_22 : i32
    %select_n3A_32 = arith.select %and3A_30, %add3A_31, %rem3A_23 : i32
    %mul3A_33 = arith.constant 256 : i32
    %mul3A_34 = arith.muli %select_n3A_32, %mul3A_33 : i32
    "tpu.region"() ({
      %run_scoped3A = tpu.sem_alloc : memref<!tpu.dma_semaphore, #tpu.memory_space<semaphore_mem>>
      %dma_start3A_42 = tpu.memref_slice %arg2[%select_n3A, %mul3A_34] : memref<50x16384xi32, #tpu.memory_space<hbm>> -> memref<1x256xi32, #tpu.memory_space<hbm>>
      %dma_start3A_43 = tpu.memref_squeeze %dma_start3A_42 : memref<1x256xi32, #tpu.memory_space<hbm>> -> memref<256xi32, #tpu.memory_space<hbm>>
      %dma_start3A_44 = tpu.memref_slice %arg2[%select_n3A, %mul3A_34] : memref<50x16384xi32, #tpu.memory_space<hbm>> -> memref<1x256xi32, #tpu.memory_space<hbm>>
      %dma_start3A_45 = tpu.memref_squeeze %dma_start3A_44 : memref<1x256xi32, #tpu.memory_space<hbm>> -> memref<256xi32, #tpu.memory_space<hbm>>
      tpu.enqueue_dma source(%dma_start3A_45 : memref<256xi32, #tpu.memory_space<hbm>>) target(%arg5 : memref<256xi32, #tpu.memory_space<vmem>>) target_semaphore(%run_scoped3A : memref<!tpu.dma_semaphore, #tpu.memory_space<semaphore_mem>>)
      %dma_wait3A = tpu.memref_slice %arg2[%select_n3A, %mul3A_34] : memref<50x16384xi32, #tpu.memory_space<hbm>> -> memref<1x256xi32, #tpu.memory_space<hbm>>
      %dma_wait3A_46 = tpu.memref_squeeze %dma_wait3A : memref<1x256xi32, #tpu.memory_space<hbm>> -> memref<256xi32, #tpu.memory_space<hbm>>
      %dma_wait3A_47 = tpu.memref_slice %arg2[%select_n3A, %mul3A_34] : memref<50x16384xi32, #tpu.memory_space<hbm>> -> memref<1x256xi32, #tpu.memory_space<hbm>>
      %dma_wait3A_48 = tpu.memref_squeeze %dma_wait3A_47 : memref<1x256xi32, #tpu.memory_space<hbm>> -> memref<256xi32, #tpu.memory_space<hbm>>
      tpu.wait_dma2 semaphore(%run_scoped3A : memref<!tpu.dma_semaphore, #tpu.memory_space<semaphore_mem>>) src(%dma_wait3A_48 : memref<256xi32, #tpu.memory_space<hbm>>) dst(%arg5 : memref<256xi32, #tpu.memory_space<vmem>>)
      tpu.yield
    }) : () -> ()
    %dma_start3A = arith.constant 0 : i32
    %dma_start3A_35 = arith.constant 0 : i32
    %dma_start3A_36 = tpu.memref_slice %arg3[%dma_start3A, %dma_start3A_35] : memref<1000000x64xf32, #tpu.memory_space<hbm>> -> memref<1000000x64xf32, #tpu.memory_space<hbm>>
    tpu.enqueue_indirect_dma source(%dma_start3A_36 : memref<1000000x64xf32, #tpu.memory_space<hbm>>) target(%arg7 : memref<256x64xf32, #tpu.memory_space<vmem>>) offsets(%arg5 : memref<256xi32, #tpu.memory_space<vmem>>) semaphore(%arg9 : memref<!tpu.dma_semaphore, #tpu.memory_space<semaphore_mem>>)
    %scan3A = arith.constant 0 : i32
    %scan3A_37 = arith.constant 0 : i32
    %scan3A_38 = arith.constant 50 : i32
    %scan3A_39 = arith.addi %scan3A_37, %scan3A_38 : i32
    %scan3A_40 = arith.constant 1 : i32
    scf.for %scan3A_42 = %scan3A_37 to %scan3A_39 step %scan3A_40  : i32 {
      %mul3A_43 = arith.constant 2 : i32
      %mul3A_44 = arith.muli %mul3A_43, %scan3A_42 : i32
      %add3A_45 = arith.addi %mul3A_2, %mul3A_44 : i32
      %add3A_46 = arith.constant 1 : i32
      %add3A_47 = arith.addi %add3A_45, %add3A_46 : i32
      %jit3A_48 = arith.constant 64 : i32
      %div3A_49 = arith.divsi %add3A_47, %jit3A_48 : i32
      %sign3A_50 = arith.constant 0 : i32
      %sign3A_51 = arith.cmpi sgt, %add3A_47, %sign3A_50 : i32
      %sign3A_52 = arith.extui %sign3A_51 : i1 to i32
      %sign3A_53 = arith.constant 0 : i32
      %sign3A_54 = arith.cmpi slt, %add3A_47, %sign3A_53 : i32
      %sign3A_55 = arith.extui %sign3A_54 : i1 to i32
      %sign3A_56 = arith.subi %sign3A_52, %sign3A_55 : i32
      %sign3A_57 = arith.constant 0 : i32
      %sign3A_58 = arith.cmpi sgt, %jit3A_48, %sign3A_57 : i32
      %sign3A_59 = arith.extui %sign3A_58 : i1 to i32
      %sign3A_60 = arith.constant 0 : i32
      %sign3A_61 = arith.cmpi slt, %jit3A_48, %sign3A_60 : i32
      %sign3A_62 = arith.extui %sign3A_61 : i1 to i32
      %sign3A_63 = arith.subi %sign3A_59, %sign3A_62 : i32
      %ne3A_64 = arith.cmpi ne, %sign3A_56, %sign3A_63 : i32
      %rem3A_65 = arith.remsi %add3A_47, %jit3A_48 : i32
      %ne3A_66 = arith.constant 0 : i32
      %ne3A_67 = arith.cmpi ne, %rem3A_65, %ne3A_66 : i32
      %and3A_68 = arith.andi %ne3A_64, %ne3A_67 : i1
      %sub3A_69 = arith.constant 1 : i32
      %sub3A_70 = arith.subi %div3A_49, %sub3A_69 : i32
      %select_n3A_71 = arith.select %and3A_68, %sub3A_70, %div3A_49 : i32
      %jit3A_72 = arith.constant 64 : i32
      %eq3A_73 = arith.constant 0 : i32
      %eq3A_74 = arith.cmpi eq, %jit3A_72, %eq3A_73 : i32
      %jit3A_75 = arith.constant 1 : i32
      %select_n3A_76 = arith.select %eq3A_74, %jit3A_75, %jit3A_72 : i32
      %rem3A_77 = arith.remsi %add3A_47, %select_n3A_76 : i32
      %ne3A_78 = arith.constant 0 : i32
      %ne3A_79 = arith.cmpi ne, %rem3A_77, %ne3A_78 : i32
      %lt3A_80 = arith.constant 0 : i32
      %lt3A_81 = arith.cmpi slt, %rem3A_77, %lt3A_80 : i32
      %lt3A_82 = arith.constant 0 : i32
      %lt3A_83 = arith.cmpi slt, %select_n3A_76, %lt3A_82 : i32
      %ne3A_84 = arith.xori %lt3A_81, %lt3A_83 : i1
      %and3A_85 = arith.andi %ne3A_84, %ne3A_79 : i1
      %add3A_86 = arith.addi %rem3A_77, %select_n3A_76 : i32
      %select_n3A_87 = arith.select %and3A_85, %add3A_86, %rem3A_77 : i32
      %mul3A_88 = arith.constant 256 : i32
      %mul3A_89 = arith.muli %select_n3A_87, %mul3A_88 : i32
      "tpu.region"() ({
        %run_scoped3A = tpu.sem_alloc : memref<!tpu.dma_semaphore, #tpu.memory_space<semaphore_mem>>
        %dma_start3A_217 = tpu.memref_slice %arg2[%select_n3A_71, %mul3A_89] : memref<50x16384xi32, #tpu.memory_space<hbm>> -> memref<1x256xi32, #tpu.memory_space<hbm>>
        %dma_start3A_218 = tpu.memref_squeeze %dma_start3A_217 : memref<1x256xi32, #tpu.memory_space<hbm>> -> memref<256xi32, #tpu.memory_space<hbm>>
        %dma_start3A_219 = tpu.memref_slice %arg2[%select_n3A_71, %mul3A_89] : memref<50x16384xi32, #tpu.memory_space<hbm>> -> memref<1x256xi32, #tpu.memory_space<hbm>>
        %dma_start3A_220 = tpu.memref_squeeze %dma_start3A_219 : memref<1x256xi32, #tpu.memory_space<hbm>> -> memref<256xi32, #tpu.memory_space<hbm>>
        tpu.enqueue_dma source(%dma_start3A_220 : memref<256xi32, #tpu.memory_space<hbm>>) target(%arg6 : memref<256xi32, #tpu.memory_space<vmem>>) target_semaphore(%run_scoped3A : memref<!tpu.dma_semaphore, #tpu.memory_space<semaphore_mem>>)
        %dma_wait3A_221 = tpu.memref_slice %arg2[%select_n3A_71, %mul3A_89] : memref<50x16384xi32, #tpu.memory_space<hbm>> -> memref<1x256xi32, #tpu.memory_space<hbm>>
        %dma_wait3A_222 = tpu.memref_squeeze %dma_wait3A_221 : memref<1x256xi32, #tpu.memory_space<hbm>> -> memref<256xi32, #tpu.memory_space<hbm>>
        %dma_wait3A_223 = tpu.memref_slice %arg2[%select_n3A_71, %mul3A_89] : memref<50x16384xi32, #tpu.memory_space<hbm>> -> memref<1x256xi32, #tpu.memory_space<hbm>>
        %dma_wait3A_224 = tpu.memref_squeeze %dma_wait3A_223 : memref<1x256xi32, #tpu.memory_space<hbm>> -> memref<256xi32, #tpu.memory_space<hbm>>
        tpu.wait_dma2 semaphore(%run_scoped3A : memref<!tpu.dma_semaphore, #tpu.memory_space<semaphore_mem>>) src(%dma_wait3A_224 : memref<256xi32, #tpu.memory_space<hbm>>) dst(%arg6 : memref<256xi32, #tpu.memory_space<vmem>>)
        tpu.yield
      }) : () -> ()
      %dma_start3A_90 = arith.constant 0 : i32
      %dma_start3A_91 = arith.constant 0 : i32
      %dma_start3A_92 = tpu.memref_slice %arg3[%dma_start3A_90, %dma_start3A_91] : memref<1000000x64xf32, #tpu.memory_space<hbm>> -> memref<1000000x64xf32, #tpu.memory_space<hbm>>
      tpu.enqueue_indirect_dma source(%dma_start3A_92 : memref<1000000x64xf32, #tpu.memory_space<hbm>>) target(%arg8 : memref<256x64xf32, #tpu.memory_space<vmem>>) offsets(%arg6 : memref<256xi32, #tpu.memory_space<vmem>>) semaphore(%arg10 : memref<!tpu.dma_semaphore, #tpu.memory_space<semaphore_mem>>)
      %dma_wait3A = arith.constant 0 : i32
      %dma_wait3A_93 = arith.constant 0 : i32
      %dma_wait3A_94 = tpu.memref_slice %arg3[%dma_wait3A, %dma_wait3A_93] : memref<1000000x64xf32, #tpu.memory_space<hbm>> -> memref<1000000x64xf32, #tpu.memory_space<hbm>>
      tpu.wait_indirect_dma semaphore(%arg9 : memref<!tpu.dma_semaphore, #tpu.memory_space<semaphore_mem>>) src(%dma_wait3A_94 : memref<1000000x64xf32, #tpu.memory_space<hbm>>) dst(%arg7 : memref<256x64xf32, #tpu.memory_space<vmem>>)
      %jit3A_95 = arith.constant 64 : i32
      %div3A_96 = arith.divsi %add3A_45, %jit3A_95 : i32
      %sign3A_97 = arith.constant 0 : i32
      %sign3A_98 = arith.cmpi sgt, %add3A_45, %sign3A_97 : i32
      %sign3A_99 = arith.extui %sign3A_98 : i1 to i32
      %sign3A_100 = arith.constant 0 : i32
      %sign3A_101 = arith.cmpi slt, %add3A_45, %sign3A_100 : i32
      %sign3A_102 = arith.extui %sign3A_101 : i1 to i32
      %sign3A_103 = arith.subi %sign3A_99, %sign3A_102 : i32
      %sign3A_104 = arith.constant 0 : i32
      %sign3A_105 = arith.cmpi sgt, %jit3A_95, %sign3A_104 : i32
      %sign3A_106 = arith.extui %sign3A_105 : i1 to i32
      %sign3A_107 = arith.constant 0 : i32
      %sign3A_108 = arith.cmpi slt, %jit3A_95, %sign3A_107 : i32
      %sign3A_109 = arith.extui %sign3A_108 : i1 to i32
      %sign3A_110 = arith.subi %sign3A_106, %sign3A_109 : i32
      %ne3A_111 = arith.cmpi ne, %sign3A_103, %sign3A_110 : i32
      %rem3A_112 = arith.remsi %add3A_45, %jit3A_95 : i32
      %ne3A_113 = arith.constant 0 : i32
      %ne3A_114 = arith.cmpi ne, %rem3A_112, %ne3A_113 : i32
      %and3A_115 = arith.andi %ne3A_111, %ne3A_114 : i1
      %sub3A_116 = arith.constant 1 : i32
      %sub3A_117 = arith.subi %div3A_96, %sub3A_116 : i32
      %select_n3A_118 = arith.select %and3A_115, %sub3A_117, %div3A_96 : i32
      %jit3A_119 = arith.constant 64 : i32
      %eq3A_120 = arith.constant 0 : i32
      %eq3A_121 = arith.cmpi eq, %jit3A_119, %eq3A_120 : i32
      %jit3A_122 = arith.constant 1 : i32
      %select_n3A_123 = arith.select %eq3A_121, %jit3A_122, %jit3A_119 : i32
      %rem3A_124 = arith.remsi %add3A_45, %select_n3A_123 : i32
      %ne3A_125 = arith.constant 0 : i32
      %ne3A_126 = arith.cmpi ne, %rem3A_124, %ne3A_125 : i32
      %lt3A_127 = arith.constant 0 : i32
      %lt3A_128 = arith.cmpi slt, %rem3A_124, %lt3A_127 : i32
      %lt3A_129 = arith.constant 0 : i32
      %lt3A_130 = arith.cmpi slt, %select_n3A_123, %lt3A_129 : i32
      %ne3A_131 = arith.xori %lt3A_128, %lt3A_130 : i1
      %and3A_132 = arith.andi %ne3A_131, %ne3A_126 : i1
      %add3A_133 = arith.addi %rem3A_124, %select_n3A_123 : i32
      %select_n3A_134 = arith.select %and3A_132, %add3A_133, %rem3A_124 : i32
      %mul3A_135 = arith.constant 256 : i32
      %mul3A_136 = arith.muli %select_n3A_134, %mul3A_135 : i32
      %dma_start3A_137 = arith.constant 0 : i32
      %dma_start3A_138 = tpu.memref_slice %arg4[%select_n3A_118, %mul3A_136, %dma_start3A_137] : memref<50x16384x64xf32, #tpu.memory_space<hbm>> -> memref<1x256x64xf32, #tpu.memory_space<hbm>>
      %dma_start3A_139 = tpu.memref_squeeze %dma_start3A_138 : memref<1x256x64xf32, #tpu.memory_space<hbm>> -> memref<256x64xf32, #tpu.memory_space<hbm>>
      %dma_start3A_140 = arith.constant 0 : i32
      %dma_start3A_141 = tpu.memref_slice %arg4[%select_n3A_118, %mul3A_136, %dma_start3A_140] : memref<50x16384x64xf32, #tpu.memory_space<hbm>> -> memref<1x256x64xf32, #tpu.memory_space<hbm>>
      %dma_start3A_142 = tpu.memref_squeeze %dma_start3A_141 : memref<1x256x64xf32, #tpu.memory_space<hbm>> -> memref<256x64xf32, #tpu.memory_space<hbm>>
      tpu.enqueue_dma source(%arg7 : memref<256x64xf32, #tpu.memory_space<vmem>>) target(%dma_start3A_142 : memref<256x64xf32, #tpu.memory_space<hbm>>) target_semaphore(%arg11 : memref<!tpu.dma_semaphore, #tpu.memory_space<semaphore_mem>>)
      %dma_wait3A_143 = arith.constant 0 : i32
      %dma_wait3A_144 = arith.constant 0 : i32
      %dma_wait3A_145 = arith.constant 0 : i32
      %dma_wait3A_146 = tpu.memref_slice %arg4[%dma_wait3A_143, %dma_wait3A_144, %dma_wait3A_145] : memref<50x16384x64xf32, #tpu.memory_space<hbm>> -> memref<1x256x64xf32, #tpu.memory_space<hbm>>
      %dma_wait3A_147 = tpu.memref_squeeze %dma_wait3A_146 : memref<1x256x64xf32, #tpu.memory_space<hbm>> -> memref<256x64xf32, #tpu.memory_space<hbm>>
      %dma_wait3A_148 = arith.constant 0 : i32
      %dma_wait3A_149 = arith.constant 0 : i32
      %dma_wait3A_150 = tpu.memref_slice %arg4[%dma_wait3A_143, %dma_wait3A_148, %dma_wait3A_149] : memref<50x16384x64xf32, #tpu.memory_space<hbm>> -> memref<1x256x64xf32, #tpu.memory_space<hbm>>
      %dma_wait3A_151 = tpu.memref_squeeze %dma_wait3A_150 : memref<1x256x64xf32, #tpu.memory_space<hbm>> -> memref<256x64xf32, #tpu.memory_space<hbm>>
      tpu.wait_dma2 semaphore(%arg11 : memref<!tpu.dma_semaphore, #tpu.memory_space<semaphore_mem>>) src(%arg7 : memref<256x64xf32, #tpu.memory_space<vmem>>) dst(%dma_wait3A_151 : memref<256x64xf32, #tpu.memory_space<hbm>>)
      %lt3A_152 = arith.constant 49 : i32
      %lt3A_153 = arith.cmpi slt, %scan3A_42, %lt3A_152 : i32
      %convert_element_type3A = arith.extui %lt3A_153 : i1 to i32
      %cond3A = arith.constant 0 : i32
      %cond3A_154 = arith.cmpi ne, %convert_element_type3A, %cond3A : i32
      scf.if %cond3A_154 {
        %add3A_217 = arith.constant 2 : i32
        %add3A_218 = arith.addi %add3A_45, %add3A_217 : i32
        %jit3A_219 = arith.constant 64 : i32
        %div3A_220 = arith.divsi %add3A_218, %jit3A_219 : i32
        %sign3A_221 = arith.constant 0 : i32
        %sign3A_222 = arith.cmpi sgt, %add3A_218, %sign3A_221 : i32
        %sign3A_223 = arith.extui %sign3A_222 : i1 to i32
        %sign3A_224 = arith.constant 0 : i32
        %sign3A_225 = arith.cmpi slt, %add3A_218, %sign3A_224 : i32
        %sign3A_226 = arith.extui %sign3A_225 : i1 to i32
        %sign3A_227 = arith.subi %sign3A_223, %sign3A_226 : i32
        %sign3A_228 = arith.constant 0 : i32
        %sign3A_229 = arith.cmpi sgt, %jit3A_219, %sign3A_228 : i32
        %sign3A_230 = arith.extui %sign3A_229 : i1 to i32
        %sign3A_231 = arith.constant 0 : i32
        %sign3A_232 = arith.cmpi slt, %jit3A_219, %sign3A_231 : i32
        %sign3A_233 = arith.extui %sign3A_232 : i1 to i32
        %sign3A_234 = arith.subi %sign3A_230, %sign3A_233 : i32
        %ne3A_235 = arith.cmpi ne, %sign3A_227, %sign3A_234 : i32
        %rem3A_236 = arith.remsi %add3A_218, %jit3A_219 : i32
        %ne3A_237 = arith.constant 0 : i32
        %ne3A_238 = arith.cmpi ne, %rem3A_236, %ne3A_237 : i32
        %and3A_239 = arith.andi %ne3A_235, %ne3A_238 : i1
        %sub3A_240 = arith.constant 1 : i32
        %sub3A_241 = arith.subi %div3A_220, %sub3A_240 : i32
        %select_n3A_242 = arith.select %and3A_239, %sub3A_241, %div3A_220 : i32
        %jit3A_243 = arith.constant 64 : i32
        %eq3A_244 = arith.constant 0 : i32
        %eq3A_245 = arith.cmpi eq, %jit3A_243, %eq3A_244 : i32
        %jit3A_246 = arith.constant 1 : i32
        %select_n3A_247 = arith.select %eq3A_245, %jit3A_246, %jit3A_243 : i32
        %rem3A_248 = arith.remsi %add3A_218, %select_n3A_247 : i32
        %ne3A_249 = arith.constant 0 : i32
        %ne3A_250 = arith.cmpi ne, %rem3A_248, %ne3A_249 : i32
        %lt3A_251 = arith.constant 0 : i32
        %lt3A_252 = arith.cmpi slt, %rem3A_248, %lt3A_251 : i32
        %lt3A_253 = arith.constant 0 : i32
        %lt3A_254 = arith.cmpi slt, %select_n3A_247, %lt3A_253 : i32
        %ne3A_255 = arith.xori %lt3A_252, %lt3A_254 : i1
        %and3A_256 = arith.andi %ne3A_255, %ne3A_250 : i1
        %add3A_257 = arith.addi %rem3A_248, %select_n3A_247 : i32
        %select_n3A_258 = arith.select %and3A_256, %add3A_257, %rem3A_248 : i32
        %mul3A_259 = arith.constant 256 : i32
        %mul3A_260 = arith.muli %select_n3A_258, %mul3A_259 : i32
        "tpu.region"() ({
          %run_scoped3A = tpu.sem_alloc : memref<!tpu.dma_semaphore, #tpu.memory_space<semaphore_mem>>
          %dma_start3A_264 = tpu.memref_slice %arg2[%select_n3A_242, %mul3A_260] : memref<50x16384xi32, #tpu.memory_space<hbm>> -> memref<1x256xi32, #tpu.memory_space<hbm>>
          %dma_start3A_265 = tpu.memref_squeeze %dma_start3A_264 : memref<1x256xi32, #tpu.memory_space<hbm>> -> memref<256xi32, #tpu.memory_space<hbm>>
          %dma_start3A_266 = tpu.memref_slice %arg2[%select_n3A_242, %mul3A_260] : memref<50x16384xi32, #tpu.memory_space<hbm>> -> memref<1x256xi32, #tpu.memory_space<hbm>>
          %dma_start3A_267 = tpu.memref_squeeze %dma_start3A_266 : memref<1x256xi32, #tpu.memory_space<hbm>> -> memref<256xi32, #tpu.memory_space<hbm>>
          tpu.enqueue_dma source(%dma_start3A_267 : memref<256xi32, #tpu.memory_space<hbm>>) target(%arg5 : memref<256xi32, #tpu.memory_space<vmem>>) target_semaphore(%run_scoped3A : memref<!tpu.dma_semaphore, #tpu.memory_space<semaphore_mem>>)
          %dma_wait3A_268 = tpu.memref_slice %arg2[%select_n3A_242, %mul3A_260] : memref<50x16384xi32, #tpu.memory_space<hbm>> -> memref<1x256xi32, #tpu.memory_space<hbm>>
          %dma_wait3A_269 = tpu.memref_squeeze %dma_wait3A_268 : memref<1x256xi32, #tpu.memory_space<hbm>> -> memref<256xi32, #tpu.memory_space<hbm>>
          %dma_wait3A_270 = tpu.memref_slice %arg2[%select_n3A_242, %mul3A_260] : memref<50x16384xi32, #tpu.memory_space<hbm>> -> memref<1x256xi32, #tpu.memory_space<hbm>>
          %dma_wait3A_271 = tpu.memref_squeeze %dma_wait3A_270 : memref<1x256xi32, #tpu.memory_space<hbm>> -> memref<256xi32, #tpu.memory_space<hbm>>
          tpu.wait_dma2 semaphore(%run_scoped3A : memref<!tpu.dma_semaphore, #tpu.memory_space<semaphore_mem>>) src(%dma_wait3A_271 : memref<256xi32, #tpu.memory_space<hbm>>) dst(%arg5 : memref<256xi32, #tpu.memory_space<vmem>>)
          tpu.yield
        }) : () -> ()
        %dma_start3A_261 = arith.constant 0 : i32
        %dma_start3A_262 = arith.constant 0 : i32
        %dma_start3A_263 = tpu.memref_slice %arg3[%dma_start3A_261, %dma_start3A_262] : memref<1000000x64xf32, #tpu.memory_space<hbm>> -> memref<1000000x64xf32, #tpu.memory_space<hbm>>
        tpu.enqueue_indirect_dma source(%dma_start3A_263 : memref<1000000x64xf32, #tpu.memory_space<hbm>>) target(%arg7 : memref<256x64xf32, #tpu.memory_space<vmem>>) offsets(%arg5 : memref<256xi32, #tpu.memory_space<vmem>>) semaphore(%arg9 : memref<!tpu.dma_semaphore, #tpu.memory_space<semaphore_mem>>)
      } else {
      }
      %dma_wait3A_155 = arith.constant 0 : i32
      %dma_wait3A_156 = arith.constant 0 : i32
      %dma_wait3A_157 = tpu.memref_slice %arg3[%dma_wait3A_155, %dma_wait3A_156] : memref<1000000x64xf32, #tpu.memory_space<hbm>> -> memref<1000000x64xf32, #tpu.memory_space<hbm>>
      tpu.wait_indirect_dma semaphore(%arg10 : memref<!tpu.dma_semaphore, #tpu.memory_space<semaphore_mem>>) src(%dma_wait3A_157 : memref<1000000x64xf32, #tpu.memory_space<hbm>>) dst(%arg8 : memref<256x64xf32, #tpu.memory_space<vmem>>)
      %add3A_158 = arith.constant 1 : i32
      %add3A_159 = arith.addi %add3A_45, %add3A_158 : i32
      %jit3A_160 = arith.constant 64 : i32
      %div3A_161 = arith.divsi %add3A_159, %jit3A_160 : i32
      %sign3A_162 = arith.constant 0 : i32
      %sign3A_163 = arith.cmpi sgt, %add3A_159, %sign3A_162 : i32
      %sign3A_164 = arith.extui %sign3A_163 : i1 to i32
      %sign3A_165 = arith.constant 0 : i32
      %sign3A_166 = arith.cmpi slt, %add3A_159, %sign3A_165 : i32
      %sign3A_167 = arith.extui %sign3A_166 : i1 to i32
      %sign3A_168 = arith.subi %sign3A_164, %sign3A_167 : i32
      %sign3A_169 = arith.constant 0 : i32
      %sign3A_170 = arith.cmpi sgt, %jit3A_160, %sign3A_169 : i32
      %sign3A_171 = arith.extui %sign3A_170 : i1 to i32
      %sign3A_172 = arith.constant 0 : i32
      %sign3A_173 = arith.cmpi slt, %jit3A_160, %sign3A_172 : i32
      %sign3A_174 = arith.extui %sign3A_173 : i1 to i32
      %sign3A_175 = arith.subi %sign3A_171, %sign3A_174 : i32
      %ne3A_176 = arith.cmpi ne, %sign3A_168, %sign3A_175 : i32
      %rem3A_177 = arith.remsi %add3A_159, %jit3A_160 : i32
      %ne3A_178 = arith.constant 0 : i32
      %ne3A_179 = arith.cmpi ne, %rem3A_177, %ne3A_178 : i32
      %and3A_180 = arith.andi %ne3A_176, %ne3A_179 : i1
      %sub3A_181 = arith.constant 1 : i32
      %sub3A_182 = arith.subi %div3A_161, %sub3A_181 : i32
      %select_n3A_183 = arith.select %and3A_180, %sub3A_182, %div3A_161 : i32
      %jit3A_184 = arith.constant 64 : i32
      %eq3A_185 = arith.constant 0 : i32
      %eq3A_186 = arith.cmpi eq, %jit3A_184, %eq3A_185 : i32
      %jit3A_187 = arith.constant 1 : i32
      %select_n3A_188 = arith.select %eq3A_186, %jit3A_187, %jit3A_184 : i32
      %rem3A_189 = arith.remsi %add3A_159, %select_n3A_188 : i32
      %ne3A_190 = arith.constant 0 : i32
      %ne3A_191 = arith.cmpi ne, %rem3A_189, %ne3A_190 : i32
      %lt3A_192 = arith.constant 0 : i32
      %lt3A_193 = arith.cmpi slt, %rem3A_189, %lt3A_192 : i32
      %lt3A_194 = arith.constant 0 : i32
      %lt3A_195 = arith.cmpi slt, %select_n3A_188, %lt3A_194 : i32
      %ne3A_196 = arith.xori %lt3A_193, %lt3A_195 : i1
      %and3A_197 = arith.andi %ne3A_196, %ne3A_191 : i1
      %add3A_198 = arith.addi %rem3A_189, %select_n3A_188 : i32
      %select_n3A_199 = arith.select %and3A_197, %add3A_198, %rem3A_189 : i32
      %mul3A_200 = arith.constant 256 : i32
      %mul3A_201 = arith.muli %select_n3A_199, %mul3A_200 : i32
      %dma_start3A_202 = arith.constant 0 : i32
      %dma_start3A_203 = tpu.memref_slice %arg4[%select_n3A_183, %mul3A_201, %dma_start3A_202] : memref<50x16384x64xf32, #tpu.memory_space<hbm>> -> memref<1x256x64xf32, #tpu.memory_space<hbm>>
      %dma_start3A_204 = tpu.memref_squeeze %dma_start3A_203 : memref<1x256x64xf32, #tpu.memory_space<hbm>> -> memref<256x64xf32, #tpu.memory_space<hbm>>
      %dma_start3A_205 = arith.constant 0 : i32
      %dma_start3A_206 = tpu.memref_slice %arg4[%select_n3A_183, %mul3A_201, %dma_start3A_205] : memref<50x16384x64xf32, #tpu.memory_space<hbm>> -> memref<1x256x64xf32, #tpu.memory_space<hbm>>
      %dma_start3A_207 = tpu.memref_squeeze %dma_start3A_206 : memref<1x256x64xf32, #tpu.memory_space<hbm>> -> memref<256x64xf32, #tpu.memory_space<hbm>>
      tpu.enqueue_dma source(%arg8 : memref<256x64xf32, #tpu.memory_space<vmem>>) target(%dma_start3A_207 : memref<256x64xf32, #tpu.memory_space<hbm>>) target_semaphore(%arg12 : memref<!tpu.dma_semaphore, #tpu.memory_space<semaphore_mem>>)
      %dma_wait3A_208 = arith.constant 0 : i32
      %dma_wait3A_209 = arith.constant 0 : i32
      %dma_wait3A_210 = arith.constant 0 : i32
      %dma_wait3A_211 = tpu.memref_slice %arg4[%dma_wait3A_208, %dma_wait3A_209, %dma_wait3A_210] : memref<50x16384x64xf32, #tpu.memory_space<hbm>> -> memref<1x256x64xf32, #tpu.memory_space<hbm>>
      %dma_wait3A_212 = tpu.memref_squeeze %dma_wait3A_211 : memref<1x256x64xf32, #tpu.memory_space<hbm>> -> memref<256x64xf32, #tpu.memory_space<hbm>>
      %dma_wait3A_213 = arith.constant 0 : i32
      %dma_wait3A_214 = arith.constant 0 : i32
      %dma_wait3A_215 = tpu.memref_slice %arg4[%dma_wait3A_208, %dma_wait3A_213, %dma_wait3A_214] : memref<50x16384x64xf32, #tpu.memory_space<hbm>> -> memref<1x256x64xf32, #tpu.memory_space<hbm>>
      %dma_wait3A_216 = tpu.memref_squeeze %dma_wait3A_215 : memref<1x256x64xf32, #tpu.memory_space<hbm>> -> memref<256x64xf32, #tpu.memory_space<hbm>>
      tpu.wait_dma2 semaphore(%arg12 : memref<!tpu.dma_semaphore, #tpu.memory_space<semaphore_mem>>) src(%arg8 : memref<256x64xf32, #tpu.memory_space<vmem>>) dst(%dma_wait3A_216 : memref<256x64xf32, #tpu.memory_space<hbm>>)
    }
    %scan3A_41 = arith.constant 50 : i32
    return
  }
}

</mosaic_0001>

<sc_bundles>
// kernel: kernel.3.cloned.1.call-start
scs
__scs_entry_jumppad:
0x0: {  	(pc) =	sbr.rel $0x88, $3  }
0x1: {  	(tag) =	ssettag $0x0;
	lr =	simm.s32 $0x1  }
0x2: {  	[smem:$0x3F9F] =	sst lr;
	_ =	strace $0xD0000000  }
0x3: {  	_ = 	snop  }
0x4: {  	_ = 	snop  }
0x5: {  	_ = 	snop  }
0x6: {  	_ = 	snop  }
0x7: {  	_ = 	snop  }
__scs_overlays_trampoline_lowered:
0x8: {  	[smem:$0x3FAE] =	sst s0  }
0x9: {  	[smem:$0x3FAF] =	sst s1  }
0xa: {  	[smem:$0x3FB0] =	sst s2  }
0xb: {  	[smem:$0x3FB1] =	sst s3  }
0xc: {  	[smem:$0x3FB2] =	sst s4  }
0xd: {  	[smem:$0x3FB3] =	sst s5  }
0xe: {  	[smem:$0x3FB4] =	sst s6  }
0xf: {  	[smem:$0x3FB5] =	sst s7  }
0x10: {  	[smem:$0x3FB6] =	sst s8  }
0x11: {  	[smem:$0x3FB7] =	sst s9;
	s0 =	simm.s32 @!p0 $0x0  }
0x12: {  	s1 =	sld [smem:$0x3F9D];
	s0 =	simm.s32 @p0 $0x1  }
0x13: {  	[smem:$0x3FB8] =	sst s0;
	s0 =	simm.s32 @!p1 $0x0  }
0x14: {  	s2 =	sld [smem:$0x3F9C];
	s0 =	simm.s32 @p1 $0x1  }
0x15: {  	[smem:$0x3FB9] =	sst s0;
	s0 =	simm.s32 @!p2 $0x0  }
0x16: {  	s3 =	sld [smem:$0x3FDB];
	s0 =	simm.s32 @p2 $0x1  }
0x17: {  	s4 =	simm.s32 $0x1BF5;
	[smem:$0x3FBB] =	sst s0  }
0x18: {  	s0 =	sld [smem:$0x3F9E];
	_ =	swait.ge [sflag:s4], $0x0  }
0x19: {  	s7 =	sld [smem:$0x3F9F]  }
0x1a: {  	s8 =	sadd.s32 $0xFFFFE003, lr  }
0x1b: {  	s9 =	sadd.s32 $0xFFFFFEF7, lr;
	s5 =	simm.s32 $0xFFFFFFFF;
	p2 =	slt.u32 s8, $0xFFFFF086  }
0x1c: {  	p1 =	slt.u32 s9, $0xF7A;
	s5 =	simm.s32 @!p2 $0x0  }
0x1d: {  	s5 =	simm.s32 @p1 $0x1;
	p0 =	seq.s32 s7, s2  }
0x1e: {  	s7 =	smul.u32 @!p0 $0xF7A, s2;
	p2 =	seq.s32 @!p0 s5, $0x0  }
0x1f: {  	s9 =	smul.u32 $0xF7A, s1;
	s8 =	simm.s32 @!p0 $0x1BF5;
	p2 =	por !p2, p0  }
0x20: {  	[sflag:s8] =	ssyncset.s32 @!p0 $0xFFFFF086;
	s6 =	sadd.s32 @!p0 s3, s7;
	s7 =	simm.s32 @!p0 $0x108  }
0x21: {  	s3 =	sadd.s32 s3, s9;
	s6 =	sadd.s32 @!p0 $0x88, s6;
	s7 =	simm.s32 @p2 $0x1082  }
0x22: {  	[simem:s7], [sflag:s8] =	dma.local @!p0 [hbm:s6], $0xF7A  }
0x23: {  	s9 =	sor.u32 $0xD0000000, s2;
	s6 =	simm.s32 $0x108;
	_ =	swait.ge @!p0 [sflag:s8], $0x0  }
0x24: {  	s3 =	sadd.s32 $0x88, s3;
	s6 =	simm.s32 @!p1 $0x1082;
	[sflag:s4] =	ssyncset.s32 $0xFFFFF086  }
0x25: {  	[simem:s6], [sflag:s4] =	dma.local [hbm:s3], $0xF7A  }
0x26: {  	[smem:$0x3F9F] =	sst s1;
	(tag) =	ssettag s2;
	_ =	strace s9  }
0x27: {  	s1 =	sld [smem:$0x3FAF]  }
0x28: {  	s2 =	sld [smem:$0x3FB0]  }
0x29: {  	s4 =	sld [smem:$0x3FB2]  }
0x2a: {  	p0 =	seq.s32 s5, $0x0;
	s5 =	sld [smem:$0x3FB3]  }
0x2b: {  	s6 =	sld [smem:$0x3FB4]  }
0x2c: {  	s7 =	sld [smem:$0x3FB5]  }
0x2d: {  	s3 =	simm.s32 $0x108;
	s8 =	sld [smem:$0x3FB6]  }
0x2e: {  	s3 =	simm.s32 @!p0 $0x1082;
	s9 =	sld [smem:$0x3FB7]  }
0x2f: {  	lr =	sadd.s32 s0, s3;
	s0 =	sld [smem:$0x3FAE]  }
0x30: {  	s3 =	sld [smem:$0x3FB1]  }
0x31: {  	[smem:$0x3FBA] =	sst s10  }
0x32: {  	s10 =	sld [smem:$0x3FB8];
	_ =	sdelay $0x3  }
0x33: {  	p0 =	seq.s32 s10, $0x1;
	s10 =	sld [smem:$0x3FBA];
	_ =	sdelay $0x3  }
0x34: {  	[smem:$0x3FBA] =	sst s10  }
0x35: {  	s10 =	sld [smem:$0x3FB9];
	_ =	sdelay $0x3  }
0x36: {  	p1 =	seq.s32 s10, $0x1;
	s10 =	sld [smem:$0x3FBA];
	_ =	sdelay $0x3  }
0x37: {  	[smem:$0x3FBA] =	sst s10  }
0x38: {  	s10 =	sld [smem:$0x3FBB]  }
0x39: {  	_ = 	snop;
	(pc) =	sbr.ind lr, $3  }
0x3a: {  	_ = 	snop  }
0x3b: {  	_ = 	snop  }
0x3c: {  	p2 =	seq.s32 s10, $0x1;
	s10 =	sld [smem:$0x3FBA]  }
0x3d: {  	_ =	shalt  }
0x3e: {  	_ =	shalt  }
0x3f: {  	_ =	shalt  }
0x40: {  	_ =	shalt  }
0x41: {  	_ =	shalt  }
0x42: {  	_ =	shalt  }
0x43: {  	_ =	shalt  }
0x44: {  	_ =	shalt  }
0x45: {  	_ =	shalt  }
0x46: {  	_ =	shalt  }
0x47: {  	_ =	shalt  }
0x48: {  	_ =	shalt  }
0x49: {  	_ =	shalt  }
0x4a: {  	_ =	shalt  }
0x4b: {  	_ =	shalt  }
0x4c: {  	_ =	shalt  }
0x4d: {  	_ =	shalt  }
0x4e: {  	_ =	shalt  }
0x4f: {  	_ =	shalt  }
0x50: {  	_ =	shalt  }
0x51: {  	_ =	shalt  }
0x52: {  	_ =	shalt  }
0x53: {  	_ =	shalt  }
0x54: {  	_ =	shalt  }
0x55: {  	_ =	shalt  }
0x56: {  	_ =	shalt  }
0x57: {  	_ =	shalt  }
0x58: {  	_ =	shalt  }
0x59: {  	_ =	shalt  }
0x5a: {  	_ =	shalt  }
0x5b: {  	_ =	shalt  }
0x5c: {  	_ =	shalt  }
0x5d: {  	_ =	shalt  }
0x5e: {  	_ =	shalt  }
0x5f: {  	_ =	shalt  }
0x60: {  	_ =	shalt  }
0x61: {  	_ =	shalt  }
0x62: {  	_ =	shalt  }
0x63: {  	_ =	shalt  }
0x64: {  	_ =	shalt  }
0x65: {  	_ =	shalt  }
0x66: {  	_ =	shalt  }
0x67: {  	_ =	shalt  }
0x68: {  	_ =	shalt  }
0x69: {  	_ =	shalt  }
0x6a: {  	_ =	shalt  }
0x6b: {  	_ =	shalt  }
0x6c: {  	_ =	shalt  }
0x6d: {  	_ =	shalt  }
0x6e: {  	_ =	shalt  }
0x6f: {  	_ =	shalt  }
0x70: {  	_ =	shalt  }
0x71: {  	_ =	shalt  }
0x72: {  	_ =	shalt  }
0x73: {  	_ =	shalt  }
0x74: {  	_ =	shalt  }
0x75: {  	_ =	shalt  }
0x76: {  	_ =	shalt  }
0x77: {  	_ =	shalt  }
0x78: {  	_ =	shalt  }
0x79: {  	_ =	shalt  }
0x7a: {  	_ =	shalt  }
0x7b: {  	_ =	shalt  }
0x7c: {  	_ =	shalt  }
0x7d: {  	_ =	shalt  }
0x7e: {  	_ =	shalt  }
0x7f: {  	_ =	shalt  }
0x80: {  	_ =	shalt  }
0x81: {  	_ =	shalt  }
0x82: {  	_ =	shalt  }
0x83: {  	_ =	shalt  }
0x84: {  	_ =	shalt  }
0x85: {  	_ =	shalt  }
0x86: {  	_ =	shalt  }
0x87: {  	_ =	shalt  }
.Lfunc_end0:
.L_simem_size_0:
called_computation.1_lowered:
.L_overlay_start_0:
0x88: {  	s2 =	sld [smem:$0x3FD9]  }
0x89: {  	s3 =	sld [smem:$0x3FFE];
	_ =	sdelay $0x1  }
0x8a: {  	s1 =	srdreg.scid  }
0x8b: {  	s0 =	sand.u32 $0x1, s1  }
0x8c: {  	s17 =	sshll.u32 s0, $0xA;
	s2 =	sadd.s32 s3, s2  }
0x8d: {  	s2 =	sadd.s32 s2, s17  }
0x8e: {  	[smem:$0x3FC6] =	sst s2  }
0x8f: {  	_ = 	snop  }
0x90: {  	s2 =	sld [smem:$0x3FD0];
	(tm) =	ssettm $0x1  }
0x91: {  	s18 =	sld [smem:$0x3FFB];
	_ =	sdelay $0x3  }
0x92: {  	_ =	strace s18  }
0x93: {  	s3 =	sld [smem:$0x3FFC];
	_ =	sdelay $0x3  }
0x94: {  	_ =	strace s3  }
0x95: {  	s3 =	sld [smem:$0x3FFD];
	_ =	sdelay $0x3  }
0x96: {  	_ =	strace s3  }
0x97: {  	_ =	strace $0x8FFFFFFF  }
0x98: {  	s19 =	sld [smem:$0x3FDB];
	_ =	sdelay $0x1  }
0x99: {  	s4 =	simm.s32 $_scs_section_size  }
0x9a: {  	s5 =	simm.s32 $_size__tile_overlayer_lowered;
	s6 =	simm.s32 $_tile_overlayer_lowered  }
0x9b: {  	s22 =	simm.s32 $0x1BFF;
	s21 =	sshll.u32 s6, $0x1;
	s3 =	sadd.s32 s4, s19  }
0x9c: {  	s7 =	simm.s32 $0x0;
	s20 =	sshll.u32 s5, $0x1;
	s5 =	sadd.s32 s21, s3  }
0x9d: {  	[timem:s7], [sflag:s22] =	dma.local [hbm:s5], s20  }
0x9e: {  	_ =	swait.ge [sflag:s22], s20  }
0x9f: {  	s4 =	ssub.s32 $0x0, s20;
	[sflag:s22] =	ssyncset.done $0x0  }
0xa0: {  	[sflag:s22] =	ssyncadd.s32 s4;
	_ =	sdelay $0x1  }
0xa1: {  	s23 =	simm.s32 $0x1B8B  }
0xa2: {  	_ =	swait.ge [sflag:s23], $0x1  }
0xa3: {  	[sflag:s23] =	ssyncset.done $0x0  }
0xa4: {  	s25 =	simm.s32 $0x1B8E;
	s24 =	sld [smem:$0x3FFE];
	[sflag:s23] =	ssyncadd.s32 $0xFFFFFFFF  }
0xa5: {  	s26 =	simm.s32 $execute0_lowered;
	[smem:$0x3FD2] =	sst s25  }
0xa6: {  	s5 =	sshll.u32 s26, $0x1;
	_ =	strace $0x80000046;
	[dreg:$0x1] =	wrdreg $0xFFFFFFFF  }
0xa7: {  	s28 =	simm.s32 $_size_execute0_lowered;
	s3 =	sadd.s32 s3, s5;
	[dreg:$0x0] =	wrdreg $0x0  }
0xa8: {  	s5 =	sshll.u32 s28, $0x1;
	[dreg:$0x2] =	wrdreg s3  }
0xa9: {  	[dreg:$0x3] =	wrdreg s5  }
0xaa: {  	[dreg:$0x4] =	wrdreg $0xC0  }
0xab: {  	_ =	task [dreg:s7], $0x5FFFF  }
0xac: {  	[dreg:$0x1] =	wrdreg $0xFFFFFFFF  }
0xad: {  	[dreg:$0x0] =	wrdreg $0x60  }
0xae: {  	[dreg:$0x2] =	wrdreg s24  }
0xaf: {  	[dreg:$0x3] =	wrdreg s2  }
0xb0: {  	[dreg:$0x4] =	wrdreg $0x9  }
0xb1: {  	_ =	task.clear_ibuf [dreg:s7], $0x5FFFF;
	_ =	strace $0x90000046  }
0xb2: {  	s29 =	simm.s32 $0x9;
	_ =	strace $0x80000048  }
0xb3: {  	_ =	swait.ge [sflag:s29], $0x1  }
0xb4: {  	[sflag:s29] =	ssyncadd.s32 $0xFFFFFFFF  }
0xb5: {  	_ =	strace $0x90000048  }
0xb6: {  	_ =	sfence  }
0xb7: {  	s30 =	sld [smem:$0x0];
	_ =	sdelay $0x2  }
0xb8: {  	s31 =	sshll.u32 s1, $0xD;
	s1 =	sshrl.u32 s1, $0x2  }
0xb9: {  	s3 =	sand.u32 $0x4000, s31;
	s1 =	sadd.s32 s1, s30  }
0xba: {  	s0 =	sor.u32 s3, s0;
	s1 =	sshll.u32 s1, $0x11  }
0xbb: {  	s0 =	sor.u32 s1, s0  }
0xbc: {  	s0 =	sadd.s32 $0x8F2B, s0  }
0xbd: {  	[sflag:s0] =	ssyncadd.remote.s32 $0x1  }
0xbe: {  	_ =	sfence.sel $0xFFFF  }
0xbf: {  	[dreg:$0x0] =	wrdreg $0xFFFFFFFF;
	(pc) =	sbr.abs _section_cstart, $3  }
0xc0: {  	[dreg:$0x1] =	wrdreg $0xFFFFFFFF  }
0xc1: {  	_ =	task.clear_ibuf [dreg:s7], $0x2FFFF;
	_ =	strace $0x9FFFFFFF  }
0xc2: {  	(tm) =	ssettm $0x7FFFFFFF  }
0xc3: {  	_ =	shalt  }
tec
execute0_lowered:
.L_overlay_start_1:
0x0: {  	(tag) =	ssettag $0x1  }
0x1: {  	s0 =	stileid.u32  }
0x2: {  	s12 =	smul.u32 $0x1900, s0  }
0x3: {  	s3 =	srdreg.scid;
	s15 =	smul.u32 $0x64000, s0  }
0x4: {  	s10 =	sand.u32 $0x1, s3;
	s17 =	smul.u32 $0xC800, s0  }
0x5: {  	s14 =	smul.u32 $0xC80, s10  }
0x6: {  	s1 =	rddreg [dreg:$0x0];
	s16 =	smul.u32 $0x32000, s10  }
0x7: {  	s2 =	rddreg [dreg:$0x1];
	s4 =	sshll.u32 s0, $0x1;
	s18 =	smul.u32 $0x6400, s10  }
0x8: {  	s3 =	simm.s32 $0x0;
	s6 =	sor.u32 s10, s4;
	s30 =	smul.u32 $0x64, s10  }
0x9: {  	s5 =	sadd.s32 $0xF42E00, s1;
	[smem:$0x7FF] =	sst s3;
	s7 =	smul.u32 $0x6400, s6  }
0xa: {  	s4 =	sadd.s32 $0xA00, s1;
	s20 =	ssub.s32 $0x2, s10;
	s8 =	smul.u32 $0x2400, s6  }
0xb: {  	_ =	strace $0x80000047;
	s19 =	smul.u32 $0x64, s6;
	s9 =	sshrl.u32 s20, $0x1  }
0xc: {  	s12 =	sadd.s32 s12, s4;
	s31 =	sadd.s32 s15, s2;
	s15 =	simm.s32 $0x5  }
0xd: {  	s21 =	ssub.s32 s20, s9;
	s12 =	sadd.s32 s14, s12;
	s20 =	simm.s32 $0x3  }
0xe: {  	s7 =	sand.u32 $0xFC000, s7;
	s8 =	sand.u32 $0x3C00, s8;
	s1 =	sadd.s32 $0x62, s19  }
0xf: {  	s19 =	smul.u32 $0xC8, s0;
	s7 =	sor.u32 s8, s7;
	s23 =	sshll.u32 s1, $0x8  }
0x10: {  	s11 =	sshrl.u32 s1, $0x6;
	s1 =	sshll.u32 s1, $0xB;
	s22 =	sshrl.u32 s7, $0x3  }
0x11: {  	s7 =	sand.u32 $0x3E00, s23;
	s24 =	sshll.u32 s11, $0xE;
	s9 =	sadd.s32 s2, s1  }
0x12: {  	s28 =	sshll.u32 s11, $0x11;
	s11 =	sadd.s32 $0x40, s12;
	s12 =	sadd.s32 s16, s31  }
0x13: {  	s14 =	sadd.s32 s30, s19;
	s16 =	simm.s32 $0x100;
	s19 =	simm.s32 $0x1  }
0x14: {  	s23 =	simm.s32 $0x0;
	s13 =	sor.u32 $0x100, s7;
	s6 =	sadd.s32 s4, s22  }
0x15: {  	s7 =	smax.u32 s21, $0x1;
	s1 =	sadd.s32 s2, s28;
	s21 =	simm.s32 $0x2  }
0x16: {  	s22 =	simm.s32 $0x4;
	s25 =	sor.u32 s24, s13;
	s29 =	sshll.u32 s13, $0x3  }
0x17: {  	s13 =	sadd.s32 s18, s17;
	s17 =	simm.s32 $0x200;
	s26 =	sshrl.u32 s25, $0x3  }
0x18: {  	s18 =	simm.s32 $0x4200;
	s10 =	sadd.s32 s29, s1;
	s8 =	sadd.s32 s4, s26  }
.LBB2_1:
0x19: {  	[tilespmem:s3], [sflag:$0x5] =	stream.linear.gather [hbm4b:s6+s3], $0x100, $0x38;
	[tilespmem:$0x8200] =	vst v63  }
0x1a: {  	s1 =	sadd.s32 $0x0, s14  }
0x1b: {  	s24 =	sand.u32 $0x3E00, s13;
	_ =	swait.ge [sflag:s15], $0x100;
	s1 =	sshrl.u32 s1, $0x6  }
0x1c: {  	s24 =	sor.u32 $0x100, s24;
	[sflag:s15] =	ssyncset.done $0x0;
	s25 =	sshll.u32 s1, $0xE  }
0x1d: {  	[sflag:s15] =	ssyncadd.s32 $0xFFFFFF00;
	s25 =	sor.u32 s25, s24  }
0x1e: {  	[tilespmem:s17], [sflag:$0x1] =	stream.indirect.gather [hbm4b:s5+s16], $0x40, s3, s16, $0xb8;
	[tilespmem:$0x8200] =	vst v63  }
0x1f: {  	s25 =	sshrl.u32 s25, $0x3  }
0x20: {  	s25 =	sadd.s32 s4, s25  }
0x21: {  	[tilespmem:s16], [sflag:$0x5] =	stream.linear.gather [hbm4b:s25+s3], $0x100, $0x38;
	[tilespmem:$0x8200] =	vst v63  }
0x22: {  	_ =	swait.ge [sflag:s15], $0x100  }
0x23: {  	[sflag:s15] =	ssyncset.done $0x0  }
0x24: {  	[sflag:s15] =	ssyncadd.s32 $0xFFFFFF00  }
0x25: {  	[tilespmem:s18], [sflag:$0x2] =	stream.indirect.gather [hbm4b:s5+s16], $0x40, s16, s16, $0xb8;
	[tilespmem:$0x8200] =	vst v63  }
0x26: {  	_ =	swait.ge [sflag:s19], $0x4000  }
0x27: {  	[sflag:s19] =	ssyncset.done $0x0  }
0x28: {  	[sflag:s19] =	ssyncadd.s32 $0xFFFFC000  }
0x29: {  	[hbm4b:s12+s3] =	stream.linear.scatter [tilespmem:s17], [sflag:$0x3], $0x4000, $0x38;
	[tilespmem:$0x8200] =	vst v63  }
0x2a: {  	s26 =	simm.s32 $0x4;
	_ =	swait.ge [sflag:s20], $0x4000  }
0x2b: {  	s29 =	sadd.s32 $0x200, s13;
	s30 =	sadd.s32 $0x2, s14;
	[sflag:s20] =	ssyncset.done $0x0  }
0x2c: {  	s0 =	sshrl.u32 s30, $0x6;
	s30 =	sand.u32 $0x3E00, s29;
	[sflag:s20] =	ssyncadd.s32 $0xFFFFC000  }
0x2d: {  	[tilespmem:s3], [sflag:$0x5] =	stream.linear.gather [hbm4b:s11+s3], $0x100, $0x38;
	[tilespmem:$0x8200] =	vst v63  }
0x2e: {  	s1 =	sshll.u32 s1, $0x11;
	s28 =	sshll.u32 s24, $0x3;
	_ =	swait.ge [sflag:s15], $0x100  }
0x2f: {  	s30 =	sor.u32 $0x100, s30;
	s1 =	sadd.s32 s2, s1;
	[sflag:s15] =	ssyncset.done $0x0  }
0x30: {  	s24 =	sadd.s32 $0x40, s11;
	s31 =	sadd.s32 s28, s1;
	[sflag:s15] =	ssyncadd.s32 $0xFFFFFF00  }
0x31: {  	[tilespmem:s17], [sflag:$0x1] =	stream.indirect.gather [hbm4b:s5+s16], $0x40, s3, s16, $0xb8;
	[tilespmem:$0x8200] =	vst v63  }
0x32: {  	s1 =	sshll.u32 s0, $0xE;
	s28 =	sshll.u32 s0, $0x11;
	_ =	swait.ge [sflag:s21], $0x4000  }
0x33: {  	s1 =	sor.u32 s1, s30;
	s25 =	sadd.s32 $0x1000, s12;
	[sflag:s21] =	ssyncset.done $0x0  }
.LBB2_2:
0x34: {  	s0 =	sshrl.u32 s1, $0x3  }
0x35: {  	s1 =	sshll.u32 s30, $0x3;
	[sflag:s21] =	ssyncadd.s32 $0xFFFFC000;
	s30 =	smov.u32 s26  }
0x36: {  	[hbm4b:s31+s3] =	stream.linear.scatter [tilespmem:s18], [sflag:$0x4], $0x4000, $0x38;
	[tilespmem:$0x8200] =	vst v63  }
0x37: {  	p0 =	sne.s32 s26, $0x60;
	s26 =	sadd.s32 $0x2, s26;
	_ =	swait.ge [sflag:s22], $0x4000  }
0x38: {  	[sflag:s22] =	ssyncset.done $0x0  }
0x39: {  	s0 =	sadd.s32 s4, s0;
	[sflag:s22] =	ssyncadd.s32 $0xFFFFC000  }
0x3a: {  	[tilespmem:s16], [sflag:$0x5] =	stream.linear.gather [hbm4b:s0+s3], $0x100, $0x38;
	[tilespmem:$0x8200] =	vst v63  }
0x3b: {  	_ =	swait.ge [sflag:s15], $0x100  }
0x3c: {  	[sflag:s15] =	ssyncset.done $0x0  }
0x3d: {  	[sflag:s15] =	ssyncadd.s32 $0xFFFFFF00  }
0x3e: {  	[tilespmem:s18], [sflag:$0x2] =	stream.indirect.gather [hbm4b:s5+s16], $0x40, s16, s16, $0xb8;
	[tilespmem:$0x8200] =	vst v63  }
0x3f: {  	_ =	swait.ge [sflag:s19], $0x4000  }
0x40: {  	[sflag:s19] =	ssyncset.done $0x0  }
0x41: {  	[sflag:s19] =	ssyncadd.s32 $0xFFFFC000  }
0x42: {  	[hbm4b:s25+s3] =	stream.linear.scatter [tilespmem:s17], [sflag:$0x3], $0x4000, $0x38;
	[tilespmem:$0x8200] =	vst v63  }
0x43: {  	_ =	swait.ge [sflag:s20], $0x4000  }
0x44: {  	[sflag:s20] =	ssyncset.done $0x0  }
0x45: {  	[sflag:s20] =	ssyncadd.s32 $0xFFFFC000  }
0x46: {  	[tilespmem:s3], [sflag:$0x5] =	stream.linear.gather [hbm4b:s24+s3], $0x100, $0x38;
	[tilespmem:$0x8200] =	vst v63  }
0x47: {  	s29 =	sadd.s32 $0x200, s29;
	s25 =	sadd.s32 $0x1000, s25;
	_ =	swait.ge [sflag:s15], $0x100  }
0x48: {  	s28 =	sadd.s32 s2, s28;
	s24 =	sadd.s32 $0x40, s24;
	[sflag:s15] =	ssyncset.done $0x0  }
.Ltmp0:
0x49: {  	s0 =	sadd.s32 s30, s14;
	[sflag:s15] =	ssyncadd.s32 $0xFFFFFF00;
	(pc) =	sbr.rel @p0 .LBB2_2-.Ltmp0, $4  }
0x4a: {  	s31 =	sadd.s32 s1, s28;
	s30 =	sand.u32 $0x3E00, s29;
	s0 =	sshrl.u32 s0, $0x6  }
0x4b: {  	[tilespmem:s17], [sflag:$0x1] =	stream.indirect.gather [hbm4b:s5+s16], $0x40, s3, s16, $0xb8;
	[tilespmem:$0x8200] =	vst v63  }
0x4c: {  	s30 =	sor.u32 $0x100, s30;
	s1 =	sshll.u32 s0, $0xE;
	_ =	swait.ge [sflag:s21], $0x4000  }
0x4d: {  	s28 =	sshll.u32 s0, $0x11;
	s1 =	sor.u32 s1, s30;
	[sflag:s21] =	ssyncset.done $0x0  }
0x4e: {  	[sflag:s21] =	ssyncadd.s32 $0xFFFFC000  }
0x4f: {  	[hbm4b:s31+s3] =	stream.linear.scatter [tilespmem:s18], [sflag:$0x4], $0x4000, $0x38;
	[tilespmem:$0x8200] =	vst v63  }
0x50: {  	_ =	swait.ge [sflag:s22], $0x4000  }
0x51: {  	s0 =	sshrl.u32 s1, $0x3;
	[sflag:s22] =	ssyncset.done $0x0  }
0x52: {  	s0 =	sadd.s32 s4, s0;
	[sflag:s22] =	ssyncadd.s32 $0xFFFFC000  }
0x53: {  	[tilespmem:s16], [sflag:$0x5] =	stream.linear.gather [hbm4b:s0+s3], $0x100, $0x38;
	[tilespmem:$0x8200] =	vst v63  }
0x54: {  	_ =	swait.ge [sflag:s15], $0x100  }
0x55: {  	[sflag:s15] =	ssyncset.done $0x0  }
0x56: {  	[sflag:s15] =	ssyncadd.s32 $0xFFFFFF00  }
0x57: {  	[tilespmem:s18], [sflag:$0x2] =	stream.indirect.gather [hbm4b:s5+s16], $0x40, s16, s16, $0xb8;
	[tilespmem:$0x8200] =	vst v63  }
0x58: {  	_ =	swait.ge [sflag:s19], $0x4000  }
0x59: {  	[sflag:s19] =	ssyncset.done $0x0  }
0x5a: {  	[sflag:s19] =	ssyncadd.s32 $0xFFFFC000  }
0x5b: {  	[hbm4b:s25+s3] =	stream.linear.scatter [tilespmem:s17], [sflag:$0x3], $0x4000, $0x38;
	[tilespmem:$0x8200] =	vst v63  }
0x5c: {  	_ =	swait.ge [sflag:s20], $0x4000  }
0x5d: {  	[sflag:s20] =	ssyncset.done $0x0  }
0x5e: {  	[sflag:s20] =	ssyncadd.s32 $0xFFFFC000  }
0x5f: {  	[tilespmem:s3], [sflag:$0x5] =	stream.linear.gather [hbm4b:s24+s3], $0x100, $0x38;
	[tilespmem:$0x8200] =	vst v63  }
0x60: {  	_ =	swait.ge [sflag:s15], $0x100  }
0x61: {  	[sflag:s15] =	ssyncset.done $0x0  }
0x62: {  	[sflag:s15] =	ssyncadd.s32 $0xFFFFFF00  }
0x63: {  	[tilespmem:s17], [sflag:$0x1] =	stream.indirect.gather [hbm4b:s5+s16], $0x40, s3, s16, $0xb8;
	[tilespmem:$0x8200] =	vst v63  }
0x64: {  	_ =	swait.ge [sflag:s21], $0x4000  }
0x65: {  	s30 =	sshll.u32 s30, $0x3;
	s31 =	sadd.s32 s2, s28;
	[sflag:s21] =	ssyncset.done $0x0  }
0x66: {  	s0 =	sadd.s32 s30, s31;
	[sflag:s21] =	ssyncadd.s32 $0xFFFFC000  }
0x67: {  	[hbm4b:s0+s3] =	stream.linear.scatter [tilespmem:s18], [sflag:$0x4], $0x4000, $0x38;
	[tilespmem:$0x8200] =	vst v63  }
0x68: {  	_ =	swait.ge [sflag:s22], $0x4000  }
0x69: {  	[sflag:s22] =	ssyncset.done $0x0  }
0x6a: {  	[sflag:s22] =	ssyncadd.s32 $0xFFFFC000  }
0x6b: {  	[tilespmem:s16], [sflag:$0x5] =	stream.linear.gather [hbm4b:s8+s3], $0x100, $0x38;
	[tilespmem:$0x8200] =	vst v63  }
0x6c: {  	_ =	swait.ge [sflag:s15], $0x100  }
0x6d: {  	[sflag:s15] =	ssyncset.done $0x0  }
0x6e: {  	[sflag:s15] =	ssyncadd.s32 $0xFFFFFF00  }
0x6f: {  	[tilespmem:s18], [sflag:$0x2] =	stream.indirect.gather [hbm4b:s5+s16], $0x40, s16, s16, $0xb8;
	[tilespmem:$0x8200] =	vst v63  }
0x70: {  	_ =	swait.ge [sflag:s19], $0x4000  }
0x71: {  	[sflag:s19] =	ssyncset.done $0x0  }
0x72: {  	[sflag:s19] =	ssyncadd.s32 $0xFFFFC000  }
0x73: {  	[hbm4b:s9+s3] =	stream.linear.scatter [tilespmem:s17], [sflag:$0x3], $0x4000, $0x38;
	[tilespmem:$0x8200] =	vst v63  }
0x74: {  	_ =	swait.ge [sflag:s20], $0x4000  }
0x75: {  	[sflag:s20] =	ssyncset.done $0x0  }
0x76: {  	[sflag:s20] =	ssyncadd.s32 $0xFFFFC000  }
0x77: {  	s23 =	sadd.s32 $0x1, s23;
	_ =	swait.ge [sflag:s21], $0x4000  }
0x78: {  	p0 =	sne.s32 s23, s7;
	[sflag:s21] =	ssyncset.done $0x0  }
.Ltmp1:
0x79: {  	[sflag:s21] =	ssyncadd.s32 $0xFFFFC000;
	(pc) =	sbr.rel @p0 .LBB2_1-.Ltmp1, $4  }
0x7a: {  	[hbm4b:s10+s3] =	stream.linear.scatter [tilespmem:s18], [sflag:$0x4], $0x4000, $0x38;
	[tilespmem:$0x8200] =	vst v63  }
0x7b: {  	_ =	swait.ge [sflag:s22], $0x4000  }
0x7c: {  	[sflag:s22] =	ssyncset.done $0x0  }
0x7d: {  	[sflag:s22] =	ssyncadd.s32 $0xFFFFC000  }
0x7e: {  	_ =	sfence.sel $0x180000  }
0x7f: {  	[bflag:$0x0] =	sbarrier.arrive $0xFFFF  }
0x80: {  	_ =	strace $0x90000047  }
0x81: {  	s0 =	stileid.u32;
	[bflag:$0x2] =	sbarrier.arrive $0xFFFF  }
0x82: {  	p0 =	sne.s32 s0, $0x0;
	s0 =	rddreg [dreg:$0x2]  }
0x83: {  	s0 =	sadd.s32 @!p0 $0x100000, s0  }
0x84: {  	[sflag:s0] =	ssyncadd.tile.s32 @!p0 $0x1;
	_ =	shalt  }
.Lfunc_end2:
_tile_overlayer_lowered:
.L_overlay_start_2:
0x85: {  	(tag) =	ssettag $0x2  }
0x86: {  	s0 =	rddreg [dreg:$0x0];
	s2 =	stileid.u32  }
0x87: {  	s1 =	rddreg [dreg:$0x1];
	p0 =	sne.s32 s2, $0x0  }
0x88: {  	s3 =	rddreg [dreg:$0x2];
	[bflag:$0x3] =	sbarrier.arrive $0xFFFF;
	s2 =	simm.s32 @!p0 $0x1C05  }
0x89: {  	[timem:s3], [sflag:s2] =	dma.local @!p0 [hbm:s0], s1  }
0x8a: {  	s0 =	simm.s32 @!p0 $0x5  }
0x8b: {  	_ =	swait.ge @!p0 [sflag:s0], s1  }
0x8c: {  	s1 =	ssub.s32 @!p0 $0x0, s1;
	[sflag:s0] =	ssyncset.done @!p0 $0x0  }
0x8d: {  	[sflag:s0] =	ssyncadd.s32 @!p0 s1  }
0x8e: {  	[bflag:$0x3] =	sbarrier.arrive $0xFFFF  }
0x8f: {  	_ =	shalt  }

// kernel: sparse-core-data-format-call.cloned.1.call-start
scs
called_computation_lowered:
.L_overlay_start_0:
0x0: {  	s2 =	sld [smem:$0x3FD9]  }
0x1: {  	s3 =	sld [smem:$0x3FFE];
	_ =	sdelay $0x1  }
0x2: {  	s1 =	srdreg.scid  }
0x3: {  	s0 =	sand.u32 $0x1, s1  }
0x4: {  	s18 =	sshll.u32 s0, $0xA;
	s2 =	sadd.s32 s3, s2  }
0x5: {  	s2 =	sadd.s32 s2, s18  }
0x6: {  	[smem:$0x3FC6] =	sst s2  }
0x7: {  	_ = 	snop  }
0x8: {  	s2 =	sld [smem:$0x3FD0];
	(tm) =	ssettm $0x1  }
0x9: {  	s19 =	sld [smem:$0x3FFB];
	_ =	sdelay $0x3  }
0xa: {  	_ =	strace s19  }
0xb: {  	s3 =	sld [smem:$0x3FFC];
	_ =	sdelay $0x3  }
0xc: {  	_ =	strace s3  }
0xd: {  	s3 =	sld [smem:$0x3FFD];
	_ =	sdelay $0x3  }
0xe: {  	_ =	strace s3  }
0xf: {  	_ =	strace $0x8FFFFFFF  }
0x10: {  	s20 =	sld [smem:$0x3FDB];
	_ =	sdelay $0x1  }
0x11: {  	s4 =	simm.s32 $_scs_section_size  }
0x12: {  	s5 =	simm.s32 $_size__tile_overlayer_lowered;
	s6 =	simm.s32 $_tile_overlayer_lowered  }
0x13: {  	s23 =	simm.s32 $0x1BFF;
	s22 =	sshll.u32 s6, $0x1;
	s3 =	sadd.s32 s4, s20  }
0x14: {  	s7 =	simm.s32 $0x0;
	s21 =	sshll.u32 s5, $0x1;
	s5 =	sadd.s32 s22, s3  }
0x15: {  	[timem:s7], [sflag:s23] =	dma.local [hbm:s5], s21  }
0x16: {  	_ =	swait.ge [sflag:s23], s21  }
0x17: {  	s4 =	ssub.s32 $0x0, s21;
	[sflag:s23] =	ssyncset.done $0x0  }
0x18: {  	[sflag:s23] =	ssyncadd.s32 s4;
	_ =	sdelay $0x1  }
0x19: {  	s24 =	simm.s32 $0x1B8B  }
0x1a: {  	_ =	swait.ge [sflag:s24], $0x1  }
0x1b: {  	[sflag:s24] =	ssyncset.done $0x0  }
0x1c: {  	s26 =	simm.s32 $0x1B8E;
	s25 =	sld [smem:$0x3FFE];
	[sflag:s24] =	ssyncadd.s32 $0xFFFFFFFF  }
0x1d: {  	s27 =	simm.s32 $execute0_lowered;
	[smem:$0x3FD2] =	sst s26  }
0x1e: {  	s5 =	sshll.u32 s27, $0x1;
	_ =	strace $0x80000049;
	[dreg:$0x1] =	wrdreg $0xFFFFFFFF  }
0x1f: {  	s28 =	simm.s32 $_size_execute0_lowered;
	s3 =	sadd.s32 s3, s5;
	[dreg:$0x0] =	wrdreg $0x0  }
0x20: {  	s5 =	sshll.u32 s28, $0x1;
	[dreg:$0x2] =	wrdreg s3  }
0x21: {  	[dreg:$0x3] =	wrdreg s5  }
0x22: {  	[dreg:$0x4] =	wrdreg $0xC0  }
0x23: {  	_ =	task [dreg:s7], $0x5FFFF  }
0x24: {  	[dreg:$0x1] =	wrdreg $0xFFFFFFFF  }
0x25: {  	[dreg:$0x0] =	wrdreg $0x60  }
0x26: {  	[dreg:$0x2] =	wrdreg s25  }
0x27: {  	[dreg:$0x3] =	wrdreg s2  }
0x28: {  	[dreg:$0x4] =	wrdreg $0x9  }
0x29: {  	_ =	task.clear_ibuf [dreg:s7], $0x5FFFF;
	_ =	strace $0x90000049  }
0x2a: {  	s29 =	simm.s32 $0x9;
	_ =	strace $0x8000004B  }
0x2b: {  	_ =	swait.ge [sflag:s29], $0x1  }
0x2c: {  	[sflag:s29] =	ssyncadd.s32 $0xFFFFFFFF  }
0x2d: {  	_ =	strace $0x9000004B  }
0x2e: {  	_ =	sfence  }
0x2f: {  	s30 =	sld [smem:$0x0];
	_ =	sdelay $0x2  }
0x30: {  	s31 =	sshll.u32 s1, $0xD;
	s1 =	sshrl.u32 s1, $0x2  }
0x31: {  	s3 =	sand.u32 $0x4000, s31;
	s1 =	sadd.s32 s1, s30  }
0x32: {  	s0 =	sor.u32 s3, s0;
	s1 =	sshll.u32 s1, $0x11  }
0x33: {  	s0 =	sor.u32 s1, s0  }
0x34: {  	s0 =	sadd.s32 $0x8F2B, s0  }
0x35: {  	[sflag:s0] =	ssyncadd.remote.s32 $0x1  }
0x36: {  	_ =	sfence.sel $0xFFFF  }
0x37: {  	[dreg:$0x0] =	wrdreg $0xFFFFFFFF;
	(pc) =	sbr.abs _section_cstart, $3  }
0x38: {  	[dreg:$0x1] =	wrdreg $0xFFFFFFFF  }
0x39: {  	_ =	task.clear_ibuf [dreg:s7], $0x2FFFF;
	_ =	strace $0x9FFFFFFF  }
0x3a: {  	(tm) =	ssettm $0x7FFFFFFF  }
0x3b: {  	_ =	shalt  }
tec
execute0_lowered:
.L_overlay_start_1:
0x0: {  	(tag) =	ssettag $0x1  }
0x1: {  	s0 =	srdreg.scid  }
0x2: {  	s1 =	sshll.u32 s0, $0x4  }
0x3: {  	s0 =	stileid.u32;
	s1 =	sand.u32 $0x10, s1  }
0x4: {  	s7 =	rddreg [dreg:$0x0];
	s1 =	sor.u32 s0, s1  }
0x5: {  	s4 =	simm.s32 $0x1;
	s8 =	simm.s32 $0x2;
	s2 =	sshll.u32 s1, $0x7  }
0x6: {  	s13 =	simm.s32 $0x0;
	s9 =	simm.s32 $0x20000;
	s1 =	ssub.s32 $0x4000, s2  }
0x7: {  	s14 =	simm.s32 $0x0;
	s11 =	simm.s32 $0x0;
	s3 =	sand.u32 $0xF80, s1  }
0x8: {  	s12 =	simm.s32 $0x0;
	s5 =	sshrl.u32 s1, $0xC;
	p0 =	sne.s32 s3, $0x0  }
.Ltmp0:
0x9: {  	s1 =	rddreg [dreg:$0x2];
	s4 =	simm.s32 @!p0 $0x0;
	(pc) =	sbr.rel .LBB1_1-.Ltmp0, $4  }
0xa: {  	s6 =	sadd.s32 $0xA00, s7;
	s3 =	rddreg [dreg:$0x1];
	s5 =	sadd.s32 s4, s5  }
0xb: {  	_ =	strace $0x8000004A;
	s4 =	simm.s32 $0x1;
	s5 =	smul.u32 $0x19, s5  }
0xc: {  	s7 =	sadd.s32 $0x40A00, s7;
	s10 =	smov.u32 s2;
	[sflag:s4] =	ssyncpa.u1 $0x0  }
0xd: {  	p0 =	por $0x0, $0x0;
	[sflag:s8] =	ssyncpa.u1 $0x0;
	s8 =	sadd.s32 $0x1, s5  }
.LBB1_7:
0xe: {  	s15 =	sadd.s32 $0x1000, s10  }
0xf: {  	s13 =	sadd.s32 $0x2, s11;
	s17 =	smov.u32 s11;
	p2 =	sgt.s32 s15, $0x3FFF  }
0x10: {  	s17 =	smov.u32 @p2 s13  }
0x11: {  	s15 =	smov.u32 @p2 s2;
	p2 =	sgt.s32 s17, $0x31  }
0x12: {  	s17 =	simm.s32 @p2 $0x0;
	p2 =	sne.s32 s12, s8  }
.Ltmp1:
0x13: {  	p1 =	slt.u32 s12, $0x2;
	(pc) =	sbr.rel @!p2 .LBB1_8-.Ltmp1, $4  }
0x14: {  	s16 =	simm.s32 @!p1 $0x2  }
0x15: {  	s14 =	smov.u32 s11;
	p0 =	por !p0, !p0;
	_ =	swait.ge @!p1 [sflag:s16], $0x4000  }
0x16: {  	s13 =	smov.u32 s10;
	[sflag:s16] =	ssyncset.done @!p1 $0x0;
	s10 =	smov.u32 s15  }
0x17: {  	s12 =	sadd.s32 $0x1, s12;
	[sflag:s16] =	ssyncadd.s32 @!p1 $0xFFFFC000;
	s11 =	smov.u32 s17  }
.LBB1_1:
0x18: {  	p1 =	sge.u32 s12, s5  }
0x19: {  	s15 =	sxor.u32 @!p1 $0xFFFFFFFF, s12;
	s16 =	sshll.u32 @!p1 s11, $0x12  }
0x1a: {  	s17 =	sshll.u32 @!p1 s10, $0x4;
	s19 =	simm.s32 @!p1 $0x40;
	s20 =	simm.s32 @!p1 $0x80  }
0x1b: {  	s15 =	sshll.u32 @!p1 s15, $0xE;
	s17 =	sand.u32 @!p1 $0x3FFF0, s17;
	s18 =	sadd.s32 @!p1 s6, s16  }
0x1c: {  	s16 =	sadd.s32 @!p1 s16, s7;
	s15 =	sand.u32 @!p1 $0x4000, s15;
	s18 =	sadd.s32 @!p1 s17, s18  }
0x1d: {  	[tilespmem:s15], [sflag:$0x1] =	stream.strided.gather @!p1 [hbm4b:s18+s19], $0x2000, s20, s19, $0x38;
	[tilespmem:$0x10100] =	vst v63  }
0x1e: {  	s31 =	sadd.s32 $0xFFFFFFFF, s12;
	s16 =	sadd.s32 @!p1 s17, s16;
	s15 =	sor.u32 @!p1 $0x2000, s15  }
0x1f: {  	[tilespmem:s15], [sflag:$0x1] =	stream.strided.gather @!p1 [hbm4b:s16+s19], $0x2000, s20, s19, $0x38;
	[tilespmem:$0x10100] =	vst v63  }
0x20: {  	p1 =	sge.u32 s31, s5  }
.Ltmp2:
0x21: {  	_ = 	snop;
	(pc) =	sbr.rel @p1 .LBB1_7-.Ltmp2, $1  }
0x22: {  	_ =	sdelay $0x3  }
0x23: {  	s15 =	simm.s32 $0x1;
	s17 =	sand.u32 $0x1, s12  }
0x24: {  	_ =	swait.ge [sflag:s4], $0x4000;
	s15 =	simm.s32 @!p0 $0x0;
	s17 =	smul.u32 $0x10200, s17  }
0x25: {  	p2 =	por $0x1, $0x1;
	[sflag:s4] =	ssyncset.done $0x0;
	s16 =	smul.u32 $0x10200, s15  }
0x26: {  	s18 =	sshll.u32 s15, $0x10;
	[sflag:s4] =	ssyncadd.s32 $0xFFFFC000;
	s30 =	sshrl.u32 s17, $0x2  }
0x27: {  	s31 =	sshrl.u32 s18, $0x2;
	s18 =	simm.s32 $0x0;
	s16 =	sshrl.u32 s16, $0x2  }
0x28: {  	s15 =	sor.u32 $0x8000, s30;
	s17 =	sadd.s32 $0x20, s31;
	s16 =	sor.u32 $0x8000, s16  }
.LBB1_3:
0x29: {  	s19 =	sshll.u32 s18, $0xD  }
0x2a: {  	s19 =	sand.u32 $0x3FFFE000, s19  }
0x2b: {  	s21 =	sadd.s32 s19, s17  }
0x2c: {  	s31 =	smul.u32 $0x8100, s18;
	v3 =	vld [tilespmem:s21+$0x10]  }
0x2d: {  	v1 =	vld [tilespmem:s21+$0xFFFFFFF0]  }
0x2e: {  	s18 =	sshra.s32 s31, $0x2;
	v0 =	vld [tilespmem:s21+$0x0]  }
0x2f: {  	s18 =	sadd.s32 s18, s16;
	v2 =	vld [tilespmem:s21+$0xFFFFFFE0]  }
0x30: {  	s19 =	sadd.s32 $0x0, s18  }
0x31: {  	p1 =	por p2, p2;
	s20 =	simm.s32 $0x4;
	s21 =	sadd.s32 $0x40, s21;
	[tilespmem:s19+$0x1830 ss:$0x81] =	vst.msk $0xffff, v3  }
.LBB1_4:
0x32: {  	v3 =	vld [tilespmem:s21+$0x10];
	p2 =	sne.s32 s20, $0x1FC;
	[tilespmem:s19+$0x810 ss:$0x81] =	vst.msk $0xffff, v1;
	s22 =	smov.u32 s20;
	s20 =	sadd.s32 $0x4, s20  }
.Ltmp3:
0x33: {  	v1 =	vld [tilespmem:s21+$0xFFFFFFF0];
	[tilespmem:s19+$0x1020 ss:$0x81] =	vst.msk $0xffff, v0;
	(pc) =	sbr.rel @p2 .LBB1_4-.Ltmp3, $4  }
0x34: {  	v0 =	vld [tilespmem:s21+$0x0];
	[tilespmem:s19+$0x0 ss:$0x81] =	vst.msk $0xffff, v2  }
0x35: {  	s19 =	sshra.s32 s22, $0x2;
	v2 =	vld [tilespmem:s21+$0xFFFFFFE0]  }
0x36: {  	s19 =	sadd.s32 s19, s18  }
0x37: {  	s21 =	sadd.s32 $0x40, s21;
	[tilespmem:s19+$0x1830 ss:$0x81] =	vst.msk $0xffff, v3  }
.Ltmp4:
0x38: {  	(pc) =	sbr.rel @p1 .LBB1_3-.Ltmp4, $4  }
0x39: {  	_ = 	snop  }
0x3a: {  	[tilespmem:s19+$0x810 ss:$0x81] =	vst.msk $0xffff, v1  }
0x3b: {  	[tilespmem:s19+$0x1020 ss:$0x81] =	vst.msk $0xffff, v0  }
0x3c: {  	s18 =	simm.s32 $0x1;
	p2 =	por $0x0, $0x0;
	[tilespmem:s19+$0x0 ss:$0x81] =	vst.msk $0xffff, v2  }
0x3d: {  	s16 =	sshll.u32 s13, $0x3;
	s17 =	sand.u32 $0x78, s13;
	s14 =	sshll.u32 s14, $0x11  }
.Ltmp5:
0x3e: {  	s30 =	sand.u32 $0x1F800, s13;
	s16 =	sand.u32 $0x3C00, s16;
	(pc) =	sbr.rel .LBB1_7-.Ltmp5, $4  }
0x3f: {  	s31 =	sand.u32 $0x7, s13;
	s14 =	sadd.s32 s3, s14;
	s16 =	sor.u32 s17, s16  }
0x40: {  	s13 =	sshll.u32 s31, $0x12;
	s14 =	sadd.s32 s30, s14;
	s16 =	sshrl.u32 s16, $0x3  }
0x41: {  	s13 =	sor.u32 $0x400, s13;
	s14 =	sadd.s32 s16, s14  }
0x42: {  	[hbm4b:s14+s13] =	stream.strided.scatter [tilespmem:s15], [sflag:$0x2], $0x4000, s9, s13, $0x20;
	[tilespmem:$0x10100] =	vst v63  }
.LBB1_8:
0x43: {  	_ =	sfence.sel $0x180000  }
0x44: {  	s2 =	simm.s32 $0x1;
	[bflag:$0x0] =	sbarrier.arrive $0xFFFF  }
0x45: {  	s31 =	simm.s32 $0x2;
	[sflag:s2] =	ssyncpa.u1 $0x1  }
0x46: {  	[sflag:s31] =	ssyncpa.u1 $0x1  }
0x47: {  	p0 =	sne.s32 s0, $0x0;
	_ =	strace $0x9000004A  }
0x48: {  	s0 =	sadd.s32 @!p0 $0x100000, s1;
	[bflag:$0x2] =	sbarrier.arrive $0xFFFF  }
0x49: {  	[sflag:s0] =	ssyncadd.tile.s32 @!p0 $0x1;
	_ =	shalt  }
.Lfunc_end1:
_tile_overlayer_lowered:
.L_overlay_start_2:
0x4a: {  	(tag) =	ssettag $0x2  }
0x4b: {  	s0 =	rddreg [dreg:$0x0];
	s2 =	stileid.u32  }
0x4c: {  	s1 =	rddreg [dreg:$0x1];
	p0 =	sne.s32 s2, $0x0  }
0x4d: {  	s3 =	rddreg [dreg:$0x2];
	[bflag:$0x3] =	sbarrier.arrive $0xFFFF;
	s2 =	simm.s32 @!p0 $0x1C01  }
0x4e: {  	[timem:s3], [sflag:s2] =	dma.local @!p0 [hbm:s0], s1  }
0x4f: {  	s0 =	simm.s32 @!p0 $0x1  }
0x50: {  	_ =	swait.ge @!p0 [sflag:s0], s1  }
0x51: {  	s1 =	ssub.s32 @!p0 $0x0, s1;
	[sflag:s0] =	ssyncset.done @!p0 $0x0  }
0x52: {  	[sflag:s0] =	ssyncadd.s32 @!p0 s1  }
0x53: {  	[bflag:$0x3] =	sbarrier.arrive $0xFFFF  }
0x54: {  	_ =	shalt  }

</sc_bundles>
